<compile_context>
chip_gen: v7x
topology: tpu7x:2x2x1
jax: 0.10.2.dev20260603
libtpu: 0.0.44.dev20260713+nightly
codegen_flags: <defaults>
</compile_context>

<pallas_src>
import functools

import jax
import jax.numpy as jnp
from jax import lax
from jax.experimental import pallas as pl
from jax.experimental.pallas import tpu as pltpu
from jax.experimental.pallas import tpu_sc as plsc

NSEG = 1024
HID = 128
NROWS = 320000
NC = 2
NS = 16
NW = NC * NS
RPT = NROWS // NW
CHUNK = 80
NCHUNK = RPT // CHUNK
SEG_PER_TILE = NSEG // NS


def _seg_sum_sc(x, batch, zeros):
    mesh = plsc.VectorSubcoreMesh(core_axis_name="c", subcore_axis_name="s")

    @functools.partial(
        pl.kernel,
        out_type=jax.ShapeDtypeStruct((NC * NSEG, HID), jnp.float32),
        mesh=mesh,
        scratch_types=[
            pltpu.VMEM((CHUNK, HID), jnp.float32),
            pltpu.VMEM((CHUNK,), jnp.int32),
            pltpu.VMEM_SHARED((NSEG, HID), jnp.float32),
        ],
    )
    def k(x_hbm, b_hbm, z_hbm, out_hbm, xbuf, idbuf, acc):
        cid = lax.axis_index("c")
        sid = lax.axis_index("s")
        wid = sid * NC + cid
        pltpu.sync_copy(z_hbm, acc.at[pl.ds(sid * SEG_PER_TILE, SEG_PER_TILE)])
        plsc.subcore_barrier()

        base = wid * RPT

        def chunk_body(kk, _):
            r0 = base + kk * CHUNK
            pltpu.sync_copy(x_hbm.at[pl.ds(r0, CHUNK)], xbuf)
            pltpu.sync_copy(b_hbm.at[pl.ds(r0, CHUNK)], idbuf)
            pltpu.sync_copy(xbuf, acc.at[idbuf], add=True)
            return 0

        lax.fori_loop(0, NCHUNK, chunk_body, 0)
        plsc.subcore_barrier()
        pltpu.sync_copy(
            acc.at[pl.ds(sid * SEG_PER_TILE, SEG_PER_TILE)],
            out_hbm.at[pl.ds(cid * NSEG + sid * SEG_PER_TILE, SEG_PER_TILE)],
        )

    return k(x, batch, zeros)


def _mlp_body(p_ref, w1_ref, b1_ref, g_ref, be_ref, w2_ref, b2_ref, o_ref):
    pooled = p_ref[:NSEG, :] + p_ref[NSEG:, :]
    h = jnp.dot(pooled, w1_ref[...], preferred_element_type=jnp.float32,
                precision=lax.Precision.HIGHEST)
    h = h + b1_ref[...]
    mean = jnp.mean(h, axis=-1, keepdims=True)
    var = jnp.mean((h - mean) ** 2, axis=-1, keepdims=True)
    h = (h - mean) * lax.rsqrt(var + 1e-5) * g_ref[...] + be_ref[...]
    h = jnp.maximum(h, 0.0)
    o_ref[...] = jnp.dot(h, w2_ref[...], preferred_element_type=jnp.float32,
                         precision=lax.Precision.HIGHEST) + b2_ref[0, 0]


def _mlp_tc(pooled2, W1, b1, gamma, beta, W2, b2):
    return pl.pallas_call(
        _mlp_body,
        out_shape=jax.ShapeDtypeStruct((NSEG, 1), jnp.float32),
    )(pooled2, W1, b1.reshape(1, HID), gamma.reshape(1, HID),
      beta.reshape(1, HID), W2, b2.reshape(1, 1))


def kernel(x, batch, W1, b1, gamma, beta, W2, b2):
    batch = batch.astype(jnp.int32)
    zeros = jnp.zeros((SEG_PER_TILE, HID), jnp.float32)
    pooled2 = _seg_sum_sc(x, batch, zeros)
    return _mlp_tc(pooled2, W1, b1, gamma, beta, W2, b2)

# --- scband reference (transcript-rebuilt; emitter-appended) ---
"""Pipeline reference for scband-global-model-56427280335506 (READ-ONLY COPY).

The authoritative reference and input builder live on the scoring server;
editing this copy changes nothing except your own understanding.
"""

import jax, jax.numpy as jnp
import numpy as np

NUM_SEGMENTS = 1024
HIDDEN = 128


def setup_inputs(seed: int = 0) -> dict:
    key = jax.random.key(seed)
    k_x, k_b, k_w1, k_b1, k_w2, k_b2 = jax.random.split(key, 6)
    x = jax.random.normal(k_x, (320000, HIDDEN), dtype=jnp.float32)
    batch = jnp.sort(jax.random.randint(k_b, (320000,), 0, NUM_SEGMENTS, dtype=jnp.int64))
    W1 = jax.random.normal(k_w1, (HIDDEN, HIDDEN), dtype=jnp.float32) * (1.0 / np.sqrt(HIDDEN))
    b1 = jnp.zeros((HIDDEN,), dtype=jnp.float32)
    gamma = jnp.ones((HIDDEN,), dtype=jnp.float32)
    beta = jnp.zeros((HIDDEN,), dtype=jnp.float32)
    W2 = jax.random.normal(k_w2, (HIDDEN, 1), dtype=jnp.float32) * (1.0 / np.sqrt(HIDDEN))
    b2 = jnp.zeros((1,), dtype=jnp.float32)
    return {"x": x, "batch": batch, "W1": W1, "b1": b1, "gamma": gamma, "beta": beta, "W2": W2, "b2": b2}


def reference(x, batch, W1, b1, gamma, beta, W2, b2):
    # scatter_sum(x, batch, dim=0)
    pooled = jax.ops.segment_sum(x, batch, num_segments=NUM_SEGMENTS)
    # global_mlp: Linear -> LayerNorm -> ReLU -> Linear
    h = pooled @ W1 + b1
    mean = jnp.mean(h, axis=-1, keepdims=True)
    var = jnp.mean((h - mean) ** 2, axis=-1, keepdims=True)
    h = (h - mean) / jnp.sqrt(var + 1e-5) * gamma + beta
    h = jax.nn.relu(h)
    out = h @ W2 + b2
    return out

if __name__ == "__main__":
    import jax
    _d = setup_inputs()
    print(jax.jit(kernel)(*tuple(_d.values())))

</pallas_src>

<mosaic_0001>
#map = affine_map<(d0, d1) -> (0, 0)>
#map1 = affine_map<(d0, d1) -> (0)>
module attributes {stable_mosaic.version = 14 : i64} {
  func.func @k(%arg0: i32, %arg1: i32, %arg2: memref<320000x128xf32, #tpu.memory_space<hbm>>, %arg3: memref<320000xi32, #tpu.memory_space<hbm>>, %arg4: memref<64x128xf32, #tpu.memory_space<hbm>>, %arg5: memref<2048x128xf32, #tpu.memory_space<hbm>>, %arg6: memref<80x128xf32, #tpu.memory_space<vmem>>, %arg7: memref<80xi32, #tpu.memory_space<vmem>>, %arg8: memref<1024x128xf32, #tpu.memory_space<vmem_shared>>) attributes {dimension_semantics = [#tpu.dimension_semantics<core_parallel>, #tpu.dimension_semantics<subcore_parallel>], iteration_bounds = array<i64: 2, 16>, scalar_prefetch = 0 : i64, scratch_operands = 3 : i64, tpu.core_type = #tpu.core_type<sc_vector_subcore>, window_params = [{transform_indices = #map}, {transform_indices = #map1}, {transform_indices = #map}, {transform_indices = #map}]} {
    %mul3A = arith.constant 2 : i32
    %mul3A_0 = arith.muli %arg1, %mul3A : i32
    %add3A = arith.addi %mul3A_0, %arg0 : i32
    %mul3A_1 = arith.constant 64 : i32
    %mul3A_2 = arith.muli %arg1, %mul3A_1 : i32
    "tpu.region"() ({
      %run_scoped3A = tpu.sem_alloc : memref<!tpu.dma_semaphore, #tpu.memory_space<semaphore_mem>>
      %dma_start3A = arith.constant 0 : i32
      %dma_start3A_19 = tpu.memref_slice %arg8[%mul3A_2, %dma_start3A] : memref<1024x128xf32, #tpu.memory_space<vmem_shared>> -> memref<64x128xf32, #tpu.memory_space<vmem_shared>>
      tpu.enqueue_dma source(%arg4 : memref<64x128xf32, #tpu.memory_space<hbm>>) target(%dma_start3A_19 : memref<64x128xf32, #tpu.memory_space<vmem_shared>>) target_semaphore(%run_scoped3A : memref<!tpu.dma_semaphore, #tpu.memory_space<semaphore_mem>>)
      %dma_wait3A = arith.constant 0 : i32
      %dma_wait3A_20 = tpu.memref_slice %arg8[%mul3A_2, %dma_wait3A] : memref<1024x128xf32, #tpu.memory_space<vmem_shared>> -> memref<64x128xf32, #tpu.memory_space<vmem_shared>>
      tpu.wait_dma2 semaphore(%run_scoped3A : memref<!tpu.dma_semaphore, #tpu.memory_space<semaphore_mem>>) src(%arg4 : memref<64x128xf32, #tpu.memory_space<hbm>>) dst(%dma_wait3A_20 : memref<64x128xf32, #tpu.memory_space<vmem_shared>>)
      tpu.yield
    }) : () -> ()
    %barrier3A = arith.constant 0 : index
    tpu.barrier barrier_id(%barrier3A)
    %mul3A_3 = arith.constant 10000 : i32
    %mul3A_4 = arith.muli %add3A, %mul3A_3 : i32
    %scan3A = arith.constant 0 : i32
    %scan3A_5 = arith.constant 0 : i32
    %scan3A_6 = arith.constant 125 : i32
    %scan3A_7 = arith.addi %scan3A_5, %scan3A_6 : i32
    %scan3A_8 = arith.constant 1 : i32
    %scan3A_9 = scf.for %scan3A_19 = %scan3A_5 to %scan3A_7 step %scan3A_8 iter_args(%scan3A_20 = %scan3A) -> (i32)  : i32 {
      %mul3A_21 = arith.constant 80 : i32
      %mul3A_22 = arith.muli %scan3A_19, %mul3A_21 : i32
      %add3A_23 = arith.addi %mul3A_4, %mul3A_22 : i32
      "tpu.region"() ({
        %run_scoped3A = tpu.sem_alloc : memref<!tpu.dma_semaphore, #tpu.memory_space<semaphore_mem>>
        %dma_start3A = arith.constant 0 : i32
        %dma_start3A_25 = tpu.memref_slice %arg2[%add3A_23, %dma_start3A] : memref<320000x128xf32, #tpu.memory_space<hbm>> -> memref<80x128xf32, #tpu.memory_space<hbm>>
        %dma_start3A_26 = arith.constant 0 : i32
        %dma_start3A_27 = tpu.memref_slice %arg2[%add3A_23, %dma_start3A_26] : memref<320000x128xf32, #tpu.memory_space<hbm>> -> memref<80x128xf32, #tpu.memory_space<hbm>>
        tpu.enqueue_dma source(%dma_start3A_27 : memref<80x128xf32, #tpu.memory_space<hbm>>) target(%arg6 : memref<80x128xf32, #tpu.memory_space<vmem>>) target_semaphore(%run_scoped3A : memref<!tpu.dma_semaphore, #tpu.memory_space<semaphore_mem>>)
        %dma_wait3A = arith.constant 0 : i32
        %dma_wait3A_28 = tpu.memref_slice %arg2[%add3A_23, %dma_wait3A] : memref<320000x128xf32, #tpu.memory_space<hbm>> -> memref<80x128xf32, #tpu.memory_space<hbm>>
        %dma_wait3A_29 = arith.constant 0 : i32
        %dma_wait3A_30 = tpu.memref_slice %arg2[%add3A_23, %dma_wait3A_29] : memref<320000x128xf32, #tpu.memory_space<hbm>> -> memref<80x128xf32, #tpu.memory_space<hbm>>
        tpu.wait_dma2 semaphore(%run_scoped3A : memref<!tpu.dma_semaphore, #tpu.memory_space<semaphore_mem>>) src(%dma_wait3A_30 : memref<80x128xf32, #tpu.memory_space<hbm>>) dst(%arg6 : memref<80x128xf32, #tpu.memory_space<vmem>>)
        tpu.yield
      }) : () -> ()
      "tpu.region"() ({
        %run_scoped3A = tpu.sem_alloc : memref<!tpu.dma_semaphore, #tpu.memory_space<semaphore_mem>>
        %dma_start3A = tpu.memref_slice %arg3[%add3A_23] : memref<320000xi32, #tpu.memory_space<hbm>> -> memref<80xi32, #tpu.memory_space<hbm>>
        %dma_start3A_25 = tpu.memref_slice %arg3[%add3A_23] : memref<320000xi32, #tpu.memory_space<hbm>> -> memref<80xi32, #tpu.memory_space<hbm>>
        tpu.enqueue_dma source(%dma_start3A_25 : memref<80xi32, #tpu.memory_space<hbm>>) target(%arg7 : memref<80xi32, #tpu.memory_space<vmem>>) target_semaphore(%run_scoped3A : memref<!tpu.dma_semaphore, #tpu.memory_space<semaphore_mem>>)
        %dma_wait3A = tpu.memref_slice %arg3[%add3A_23] : memref<320000xi32, #tpu.memory_space<hbm>> -> memref<80xi32, #tpu.memory_space<hbm>>
        %dma_wait3A_26 = tpu.memref_slice %arg3[%add3A_23] : memref<320000xi32, #tpu.memory_space<hbm>> -> memref<80xi32, #tpu.memory_space<hbm>>
        tpu.wait_dma2 semaphore(%run_scoped3A : memref<!tpu.dma_semaphore, #tpu.memory_space<semaphore_mem>>) src(%dma_wait3A_26 : memref<80xi32, #tpu.memory_space<hbm>>) dst(%arg7 : memref<80xi32, #tpu.memory_space<vmem>>)
        tpu.yield
      }) : () -> ()
      "tpu.region"() ({
        %run_scoped3A = tpu.sem_alloc : memref<!tpu.dma_semaphore, #tpu.memory_space<semaphore_mem>>
        %dma_start3A = arith.constant 0 : i32
        %dma_start3A_25 = arith.constant 0 : i32
        %dma_start3A_26 = tpu.memref_slice %arg8[%dma_start3A, %dma_start3A_25] : memref<1024x128xf32, #tpu.memory_space<vmem_shared>> -> memref<1024x128xf32, #tpu.memory_space<vmem_shared>>
        tpu.enqueue_indirect_dma source(%arg6 : memref<80x128xf32, #tpu.memory_space<vmem>>) target(%dma_start3A_26 : memref<1024x128xf32, #tpu.memory_space<vmem_shared>>) offsets(%arg7 : memref<80xi32, #tpu.memory_space<vmem>>) semaphore(%run_scoped3A : memref<!tpu.dma_semaphore, #tpu.memory_space<semaphore_mem>>) {add = true}
        %dma_wait3A = arith.constant 0 : i32
        %dma_wait3A_27 = arith.constant 0 : i32
        %dma_wait3A_28 = tpu.memref_slice %arg8[%dma_wait3A, %dma_wait3A_27] : memref<1024x128xf32, #tpu.memory_space<vmem_shared>> -> memref<1024x128xf32, #tpu.memory_space<vmem_shared>>
        tpu.wait_indirect_dma semaphore(%run_scoped3A : memref<!tpu.dma_semaphore, #tpu.memory_space<semaphore_mem>>) src(%arg6 : memref<80x128xf32, #tpu.memory_space<vmem>>) dst(%dma_wait3A_28 : memref<1024x128xf32, #tpu.memory_space<vmem_shared>>)
        tpu.yield
      }) : () -> ()
      %scan3A_24 = arith.constant 0 : i32
      scf.yield %scan3A_24 : i32
    }
    %scan3A_10 = arith.constant 125 : i32
    %barrier3A_11 = arith.constant 0 : index
    tpu.barrier barrier_id(%barrier3A_11)
    %mul3A_12 = arith.constant 64 : i32
    %mul3A_13 = arith.muli %arg1, %mul3A_12 : i32
    %mul3A_14 = arith.constant 1024 : i32
    %mul3A_15 = arith.muli %arg0, %mul3A_14 : i32
    %mul3A_16 = arith.constant 64 : i32
    %mul3A_17 = arith.muli %arg1, %mul3A_16 : i32
    %add3A_18 = arith.addi %mul3A_15, %mul3A_17 : i32
    "tpu.region"() ({
      %run_scoped3A = tpu.sem_alloc : memref<!tpu.dma_semaphore, #tpu.memory_space<semaphore_mem>>
      %dma_start3A = arith.constant 0 : i32
      %dma_start3A_19 = tpu.memref_slice %arg5[%add3A_18, %dma_start3A] : memref<2048x128xf32, #tpu.memory_space<hbm>> -> memref<64x128xf32, #tpu.memory_space<hbm>>
      %dma_start3A_20 = arith.constant 0 : i32
      %dma_start3A_21 = tpu.memref_slice %arg8[%mul3A_13, %dma_start3A_20] : memref<1024x128xf32, #tpu.memory_space<vmem_shared>> -> memref<64x128xf32, #tpu.memory_space<vmem_shared>>
      tpu.enqueue_dma source(%dma_start3A_21 : memref<64x128xf32, #tpu.memory_space<vmem_shared>>) target(%dma_start3A_19 : memref<64x128xf32, #tpu.memory_space<hbm>>) target_semaphore(%run_scoped3A : memref<!tpu.dma_semaphore, #tpu.memory_space<semaphore_mem>>)
      %dma_wait3A = arith.constant 0 : i32
      %dma_wait3A_22 = tpu.memref_slice %arg5[%add3A_18, %dma_wait3A] : memref<2048x128xf32, #tpu.memory_space<hbm>> -> memref<64x128xf32, #tpu.memory_space<hbm>>
      %dma_wait3A_23 = arith.constant 0 : i32
      %dma_wait3A_24 = tpu.memref_slice %arg8[%mul3A_13, %dma_wait3A_23] : memref<1024x128xf32, #tpu.memory_space<vmem_shared>> -> memref<64x128xf32, #tpu.memory_space<vmem_shared>>
      tpu.wait_dma2 semaphore(%run_scoped3A : memref<!tpu.dma_semaphore, #tpu.memory_space<semaphore_mem>>) src(%dma_wait3A_24 : memref<64x128xf32, #tpu.memory_space<vmem_shared>>) dst(%dma_wait3A_22 : memref<64x128xf32, #tpu.memory_space<hbm>>)
      tpu.yield
    }) : () -> ()
    return
  }
}

module attributes {stable_mosaic.version = 14 : i64} {
  func.func @_mlp_body(%arg0: memref<2048x128xf32, #tpu.memory_space<vmem>>, %arg1: memref<128x128xf32, #tpu.memory_space<vmem>>, %arg2: memref<1x128xf32, #tpu.memory_space<vmem>>, %arg3: memref<1x128xf32, #tpu.memory_space<vmem>>, %arg4: memref<1x128xf32, #tpu.memory_space<vmem>>, %arg5: memref<128x1xf32, #tpu.memory_space<vmem>>, %arg6: memref<1x1xf32, #tpu.memory_space<vmem>>, %arg7: memref<1024x1xf32, #tpu.memory_space<vmem>>) attributes {dimension_semantics = [], scalar_prefetch = 0 : i64, scratch_operands = 0 : i64, tpu.core_type = #tpu.core_type<tc>} {
    %get3A = arith.constant 0 : index
    %get3A_0 = arith.constant 0 : index
    %get3A_1 = vector.load %arg0[%get3A, %get3A_0] : memref<2048x128xf32, #tpu.memory_space<vmem>>, vector<1024x128xf32>
    %get3A_2 = arith.constant 1024 : index
    %get3A_3 = arith.constant 0 : index
    %get3A_4 = vector.load %arg0[%get3A_2, %get3A_3] : memref<2048x128xf32, #tpu.memory_space<vmem>>, vector<1024x128xf32>
    %add3A = arith.addf %get3A_1, %get3A_4 : vector<1024x128xf32>
    %get3A_5 = arith.constant 0 : index
    %get3A_6 = arith.constant 0 : index
    %get3A_7 = vector.load %arg1[%get3A_5, %get3A_6] : memref<128x128xf32, #tpu.memory_space<vmem>>, vector<128x128xf32>
    %dot_general3A = arith.constant dense<0.000000e+00> : vector<1024x128xf32>
    %dot_general3A_8 = tpu.matmul %add3A, %get3A_7, %dot_general3A {dimension_numbers = #tpu.dot_dimension_numbers<[1], [0], [0], [1], [0, 0, 1, 1], [], []>, precision = #tpu.contract_precision<fp32>, transpose_lhs_hint = false} : vector<1024x128xf32>, vector<128x128xf32>, vector<1024x128xf32> -> vector<1024x128xf32>
    %get3A_9 = arith.constant 0 : index
    %get3A_10 = arith.constant 0 : index
    %get3A_11 = vector.load %arg2[%get3A_9, %get3A_10] : memref<1x128xf32, #tpu.memory_space<vmem>>, vector<1x128xf32>
    %add3A_12 = vector.broadcast %get3A_11 : vector<1x128xf32> to vector<1024x128xf32>
    %add3A_13 = arith.addf %dot_general3A_8, %add3A_12 : vector<1024x128xf32>
    %reduce_sum3A = arith.constant dense<0.000000e+00> : vector<1024xf32>
    %reduce_sum3A_14 = vector.multi_reduction <add>, %add3A_13, %reduce_sum3A [1] : vector<1024x128xf32> to vector<1024xf32>
    %broadcast_in_dim3A = vector.shape_cast %reduce_sum3A_14 : vector<1024xf32> to vector<1024x1xf32>
    %div3A = arith.constant 1.280000e+02 : f32
    %div3A_15 = vector.broadcast %div3A : f32 to vector<1024x1xf32>
    %div3A_16 = arith.divf %broadcast_in_dim3A, %div3A_15 : vector<1024x1xf32>
    %sub3A = vector.broadcast %div3A_16 : vector<1024x1xf32> to vector<1024x128xf32>
    %sub3A_17 = arith.subf %add3A_13, %sub3A : vector<1024x128xf32>
    %integer_pow3A = arith.mulf %sub3A_17, %sub3A_17 : vector<1024x128xf32>
    %reduce_sum3A_18 = arith.constant dense<0.000000e+00> : vector<1024xf32>
    %reduce_sum3A_19 = vector.multi_reduction <add>, %integer_pow3A, %reduce_sum3A_18 [1] : vector<1024x128xf32> to vector<1024xf32>
    %broadcast_in_dim3A_20 = vector.shape_cast %reduce_sum3A_19 : vector<1024xf32> to vector<1024x1xf32>
    %div3A_21 = arith.constant 1.280000e+02 : f32
    %div3A_22 = vector.broadcast %div3A_21 : f32 to vector<1024x1xf32>
    %div3A_23 = arith.divf %broadcast_in_dim3A_20, %div3A_22 : vector<1024x1xf32>
    %sub3A_24 = vector.broadcast %div3A_16 : vector<1024x1xf32> to vector<1024x128xf32>
    %sub3A_25 = arith.subf %add3A_13, %sub3A_24 : vector<1024x128xf32>
    %add3A_26 = arith.constant 9.99999974E-6 : f32
    %add3A_27 = vector.broadcast %add3A_26 : f32 to vector<1024x1xf32>
    %add3A_28 = arith.addf %div3A_23, %add3A_27 : vector<1024x1xf32>
    %rsqrt3A = math.rsqrt %add3A_28 : vector<1024x1xf32>
    %mul3A = vector.broadcast %rsqrt3A : vector<1024x1xf32> to vector<1024x128xf32>
    %mul3A_29 = arith.mulf %sub3A_25, %mul3A : vector<1024x128xf32>
    %get3A_30 = arith.constant 0 : index
    %get3A_31 = arith.constant 0 : index
    %get3A_32 = vector.load %arg3[%get3A_30, %get3A_31] : memref<1x128xf32, #tpu.memory_space<vmem>>, vector<1x128xf32>
    %mul3A_33 = vector.broadcast %get3A_32 : vector<1x128xf32> to vector<1024x128xf32>
    %mul3A_34 = arith.mulf %mul3A_29, %mul3A_33 : vector<1024x128xf32>
    %get3A_35 = arith.constant 0 : index
    %get3A_36 = arith.constant 0 : index
    %get3A_37 = vector.load %arg4[%get3A_35, %get3A_36] : memref<1x128xf32, #tpu.memory_space<vmem>>, vector<1x128xf32>
    %add3A_38 = vector.broadcast %get3A_37 : vector<1x128xf32> to vector<1024x128xf32>
    %add3A_39 = arith.addf %mul3A_34, %add3A_38 : vector<1024x128xf32>
    %max3A = arith.constant 0.000000e+00 : f32
    %max3A_40 = vector.broadcast %max3A : f32 to vector<1024x128xf32>
    %max3A_41 = arith.maximumf %add3A_39, %max3A_40 : vector<1024x128xf32>
    %get3A_42 = arith.constant 0 : index
    %get3A_43 = arith.constant 0 : index
    %get3A_44 = vector.load %arg5[%get3A_42, %get3A_43] : memref<128x1xf32, #tpu.memory_space<vmem>>, vector<128x1xf32>
    %dot_general3A_45 = arith.constant dense<0.000000e+00> : vector<1024x1xf32>
    %dot_general3A_46 = tpu.matmul %max3A_41, %get3A_44, %dot_general3A_45 {dimension_numbers = #tpu.dot_dimension_numbers<[1], [0], [0], [1], [0, 0, 1, 1], [], []>, precision = #tpu.contract_precision<fp32>, transpose_lhs_hint = false} : vector<1024x128xf32>, vector<128x1xf32>, vector<1024x1xf32> -> vector<1024x1xf32>
    %get3A_47 = arith.constant 0 : index
    %get3A_48 = arith.constant 0 : index
    %get3A_49 = vector.load %arg6[%get3A_47, %get3A_48] : memref<1x1xf32, #tpu.memory_space<vmem>>, vector<1x1xf32>
    %get3A_50 = vector.extract %get3A_49[0, 0] : f32 from vector<1x1xf32>
    %add3A_51 = vector.broadcast %get3A_50 : f32 to vector<1024x1xf32>
    %add3A_52 = arith.addf %dot_general3A_46, %add3A_51 : vector<1024x1xf32>
    %swap3A = arith.constant 0 : index
    %swap3A_53 = arith.constant 0 : index
    %swap3A_54 = vector.load %arg7[%swap3A, %swap3A_53] : memref<1024x1xf32, #tpu.memory_space<vmem>>, vector<1024x1xf32>
    tpu.vector_store %arg7[%swap3A, %swap3A_53], %add3A_52 {strides = array<i32>} : memref<1024x1xf32, #tpu.memory_space<vmem>>, vector<1024x1xf32>,
    return
  }
}

</mosaic_0001>

<sc_bundles>
// kernel: kernel.4.cloned.1.call-start
scs
__scs_entry_jumppad:
0x0: {  	(pc) =	sbr.rel $0x88, $3  }
0x1: {  	(tag) =	ssettag $0x0;
	lr =	simm.s32 $0x1  }
0x2: {  	[smem:$0x3F99] =	sst lr;
	_ =	strace $0xD0000000  }
0x3: {  	_ = 	snop  }
0x4: {  	_ = 	snop  }
0x5: {  	_ = 	snop  }
0x6: {  	_ = 	snop  }
0x7: {  	_ = 	snop  }
__scs_overlays_trampoline_lowered:
0x8: {  	[smem:$0x3FA8] =	sst s0  }
0x9: {  	[smem:$0x3FA9] =	sst s1  }
0xa: {  	[smem:$0x3FAA] =	sst s2  }
0xb: {  	[smem:$0x3FAB] =	sst s3  }
0xc: {  	[smem:$0x3FAC] =	sst s4  }
0xd: {  	[smem:$0x3FAD] =	sst s5  }
0xe: {  	[smem:$0x3FAE] =	sst s6  }
0xf: {  	[smem:$0x3FAF] =	sst s7  }
0x10: {  	[smem:$0x3FB0] =	sst s8  }
0x11: {  	[smem:$0x3FB1] =	sst s9;
	s0 =	simm.s32 @!p0 $0x0  }
0x12: {  	s1 =	sld [smem:$0x3F97];
	s0 =	simm.s32 @p0 $0x1  }
0x13: {  	[smem:$0x3FB2] =	sst s0;
	s0 =	simm.s32 @!p1 $0x0  }
0x14: {  	s2 =	sld [smem:$0x3F96];
	s0 =	simm.s32 @p1 $0x1  }
0x15: {  	[smem:$0x3FB3] =	sst s0;
	s0 =	simm.s32 @!p2 $0x0  }
0x16: {  	s3 =	sld [smem:$0x3FDB];
	s0 =	simm.s32 @p2 $0x1  }
0x17: {  	s4 =	simm.s32 $0x1BF5;
	[smem:$0x3FB5] =	sst s0  }
0x18: {  	s0 =	sld [smem:$0x3F98];
	_ =	swait.ge [sflag:s4], $0x0  }
0x19: {  	s7 =	sld [smem:$0x3F99]  }
0x1a: {  	s8 =	sadd.s32 $0xFFFFE003, lr  }
0x1b: {  	s9 =	sadd.s32 $0xFFFFFEF7, lr;
	s5 =	simm.s32 $0xFFFFFFFF;
	p2 =	slt.u32 s8, $0xFFFFF086  }
0x1c: {  	p1 =	slt.u32 s9, $0xF7A;
	s5 =	simm.s32 @!p2 $0x0  }
0x1d: {  	s5 =	simm.s32 @p1 $0x1;
	p0 =	seq.s32 s7, s2  }
0x1e: {  	s7 =	smul.u32 @!p0 $0xF7A, s2;
	p2 =	seq.s32 @!p0 s5, $0x0  }
0x1f: {  	s9 =	smul.u32 $0xF7A, s1;
	s8 =	simm.s32 @!p0 $0x1BF5;
	p2 =	por !p2, p0  }
0x20: {  	[sflag:s8] =	ssyncset.s32 @!p0 $0xFFFFF086;
	s6 =	sadd.s32 @!p0 s3, s7;
	s7 =	simm.s32 @!p0 $0x108  }
0x21: {  	s3 =	sadd.s32 s3, s9;
	s6 =	sadd.s32 @!p0 $0x88, s6;
	s7 =	simm.s32 @p2 $0x1082  }
0x22: {  	[simem:s7], [sflag:s8] =	dma.local @!p0 [hbm:s6], $0xF7A  }
0x23: {  	s9 =	sor.u32 $0xD0000000, s2;
	s6 =	simm.s32 $0x108;
	_ =	swait.ge @!p0 [sflag:s8], $0x0  }
0x24: {  	s3 =	sadd.s32 $0x88, s3;
	s6 =	simm.s32 @!p1 $0x1082;
	[sflag:s4] =	ssyncset.s32 $0xFFFFF086  }
0x25: {  	[simem:s6], [sflag:s4] =	dma.local [hbm:s3], $0xF7A  }
0x26: {  	[smem:$0x3F99] =	sst s1;
	(tag) =	ssettag s2;
	_ =	strace s9  }
0x27: {  	s1 =	sld [smem:$0x3FA9]  }
0x28: {  	s2 =	sld [smem:$0x3FAA]  }
0x29: {  	s4 =	sld [smem:$0x3FAC]  }
0x2a: {  	p0 =	seq.s32 s5, $0x0;
	s5 =	sld [smem:$0x3FAD]  }
0x2b: {  	s6 =	sld [smem:$0x3FAE]  }
0x2c: {  	s7 =	sld [smem:$0x3FAF]  }
0x2d: {  	s3 =	simm.s32 $0x108;
	s8 =	sld [smem:$0x3FB0]  }
0x2e: {  	s3 =	simm.s32 @!p0 $0x1082;
	s9 =	sld [smem:$0x3FB1]  }
0x2f: {  	lr =	sadd.s32 s0, s3;
	s0 =	sld [smem:$0x3FA8]  }
0x30: {  	s3 =	sld [smem:$0x3FAB]  }
0x31: {  	[smem:$0x3FB4] =	sst s10  }
0x32: {  	s10 =	sld [smem:$0x3FB2];
	_ =	sdelay $0x3  }
0x33: {  	p0 =	seq.s32 s10, $0x1;
	s10 =	sld [smem:$0x3FB4];
	_ =	sdelay $0x3  }
0x34: {  	[smem:$0x3FB4] =	sst s10  }
0x35: {  	s10 =	sld [smem:$0x3FB3];
	_ =	sdelay $0x3  }
0x36: {  	p1 =	seq.s32 s10, $0x1;
	s10 =	sld [smem:$0x3FB4];
	_ =	sdelay $0x3  }
0x37: {  	[smem:$0x3FB4] =	sst s10  }
0x38: {  	s10 =	sld [smem:$0x3FB5]  }
0x39: {  	_ = 	snop;
	(pc) =	sbr.ind lr, $3  }
0x3a: {  	_ = 	snop  }
0x3b: {  	_ = 	snop  }
0x3c: {  	p2 =	seq.s32 s10, $0x1;
	s10 =	sld [smem:$0x3FB4]  }
0x3d: {  	_ =	shalt  }
0x3e: {  	_ =	shalt  }
0x3f: {  	_ =	shalt  }
0x40: {  	_ =	shalt  }
0x41: {  	_ =	shalt  }
0x42: {  	_ =	shalt  }
0x43: {  	_ =	shalt  }
0x44: {  	_ =	shalt  }
0x45: {  	_ =	shalt  }
0x46: {  	_ =	shalt  }
0x47: {  	_ =	shalt  }
0x48: {  	_ =	shalt  }
0x49: {  	_ =	shalt  }
0x4a: {  	_ =	shalt  }
0x4b: {  	_ =	shalt  }
0x4c: {  	_ =	shalt  }
0x4d: {  	_ =	shalt  }
0x4e: {  	_ =	shalt  }
0x4f: {  	_ =	shalt  }
0x50: {  	_ =	shalt  }
0x51: {  	_ =	shalt  }
0x52: {  	_ =	shalt  }
0x53: {  	_ =	shalt  }
0x54: {  	_ =	shalt  }
0x55: {  	_ =	shalt  }
0x56: {  	_ =	shalt  }
0x57: {  	_ =	shalt  }
0x58: {  	_ =	shalt  }
0x59: {  	_ =	shalt  }
0x5a: {  	_ =	shalt  }
0x5b: {  	_ =	shalt  }
0x5c: {  	_ =	shalt  }
0x5d: {  	_ =	shalt  }
0x5e: {  	_ =	shalt  }
0x5f: {  	_ =	shalt  }
0x60: {  	_ =	shalt  }
0x61: {  	_ =	shalt  }
0x62: {  	_ =	shalt  }
0x63: {  	_ =	shalt  }
0x64: {  	_ =	shalt  }
0x65: {  	_ =	shalt  }
0x66: {  	_ =	shalt  }
0x67: {  	_ =	shalt  }
0x68: {  	_ =	shalt  }
0x69: {  	_ =	shalt  }
0x6a: {  	_ =	shalt  }
0x6b: {  	_ =	shalt  }
0x6c: {  	_ =	shalt  }
0x6d: {  	_ =	shalt  }
0x6e: {  	_ =	shalt  }
0x6f: {  	_ =	shalt  }
0x70: {  	_ =	shalt  }
0x71: {  	_ =	shalt  }
0x72: {  	_ =	shalt  }
0x73: {  	_ =	shalt  }
0x74: {  	_ =	shalt  }
0x75: {  	_ =	shalt  }
0x76: {  	_ =	shalt  }
0x77: {  	_ =	shalt  }
0x78: {  	_ =	shalt  }
0x79: {  	_ =	shalt  }
0x7a: {  	_ =	shalt  }
0x7b: {  	_ =	shalt  }
0x7c: {  	_ =	shalt  }
0x7d: {  	_ =	shalt  }
0x7e: {  	_ =	shalt  }
0x7f: {  	_ =	shalt  }
0x80: {  	_ =	shalt  }
0x81: {  	_ =	shalt  }
0x82: {  	_ =	shalt  }
0x83: {  	_ =	shalt  }
0x84: {  	_ =	shalt  }
0x85: {  	_ =	shalt  }
0x86: {  	_ =	shalt  }
0x87: {  	_ =	shalt  }
.Lfunc_end0:
.L_simem_size_0:
called_computation_lowered:
.L_overlay_start_0:
0x88: {  	s2 =	sld [smem:$0x3FD9]  }
0x89: {  	s3 =	sld [smem:$0x3FFE];
	_ =	sdelay $0x1  }
0x8a: {  	s1 =	srdreg.scid  }
0x8b: {  	s0 =	sand.u32 $0x1, s1  }
0x8c: {  	s17 =	sshll.u32 s0, $0xA;
	s2 =	sadd.s32 s3, s2  }
0x8d: {  	s2 =	sadd.s32 s2, s17  }
0x8e: {  	[smem:$0x3FC0] =	sst s2  }
0x8f: {  	_ = 	snop  }
0x90: {  	s2 =	sld [smem:$0x3FC9]  }
0x91: {  	s18 =	sld [smem:$0x3FC8];
	(tm) =	ssettm $0x1  }
0x92: {  	s4 =	sld [smem:$0x3FFB];
	_ =	sdelay $0x3  }
0x93: {  	_ =	strace s4  }
0x94: {  	s4 =	sld [smem:$0x3FFC];
	_ =	sdelay $0x3  }
0x95: {  	_ =	strace s4  }
0x96: {  	s4 =	sld [smem:$0x3FFD];
	_ =	sdelay $0x3  }
0x97: {  	_ =	strace s4  }
0x98: {  	_ =	strace $0x8FFFFFFF  }
0x99: {  	s19 =	sld [smem:$0x3FDB];
	_ =	sdelay $0x1  }
0x9a: {  	s5 =	simm.s32 $_scs_section_size  }
0x9b: {  	s6 =	simm.s32 $_size__tile_overlayer_lowered;
	s7 =	simm.s32 $_tile_overlayer_lowered  }
0x9c: {  	s22 =	simm.s32 $0x1BFF;
	s21 =	sshll.u32 s7, $0x1;
	s4 =	sadd.s32 s5, s19  }
0x9d: {  	s8 =	simm.s32 $0x0;
	s20 =	sshll.u32 s6, $0x1;
	s6 =	sadd.s32 s21, s4  }
0x9e: {  	[timem:s8], [sflag:s22] =	dma.local [hbm:s6], s20  }
0x9f: {  	_ =	swait.ge [sflag:s22], s20  }
0xa0: {  	s5 =	ssub.s32 $0x0, s20;
	[sflag:s22] =	ssyncset.done $0x0  }
0xa1: {  	[sflag:s22] =	ssyncadd.s32 s5;
	_ =	sdelay $0x1  }
0xa2: {  	s23 =	simm.s32 $0x1B8B  }
0xa3: {  	_ =	swait.ge [sflag:s23], $0x1  }
0xa4: {  	[sflag:s23] =	ssyncset.done $0x0  }
0xa5: {  	s25 =	simm.s32 $0x1B8E;
	s24 =	sld [smem:$0x3FFE];
	[sflag:s23] =	ssyncadd.s32 $0xFFFFFFFF  }
0xa6: {  	s26 =	simm.s32 $execute0_lowered;
	[smem:$0x3FD2] =	sst s25  }
0xa7: {  	s6 =	sshll.u32 s26, $0x1;
	_ =	strace $0x80000046;
	[dreg:$0x1] =	wrdreg $0xFFFFFFFF  }
0xa8: {  	s28 =	simm.s32 $_size_execute0_lowered;
	s4 =	sadd.s32 s4, s6;
	[dreg:$0x0] =	wrdreg $0x0  }
0xa9: {  	s6 =	sshll.u32 s28, $0x1;
	[dreg:$0x2] =	wrdreg s4  }
0xaa: {  	[dreg:$0x3] =	wrdreg s6  }
0xab: {  	[dreg:$0x4] =	wrdreg $0xC0  }
0xac: {  	_ =	task [dreg:s8], $0x5FFFF  }
0xad: {  	[dreg:$0x1] =	wrdreg $0xFFFFFFFF  }
0xae: {  	[dreg:$0x0] =	wrdreg $0x60  }
0xaf: {  	[dreg:$0x2] =	wrdreg s2  }
0xb0: {  	[dreg:$0x3] =	wrdreg s18  }
0xb1: {  	[dreg:$0x4] =	wrdreg s24  }
0xb2: {  	[dreg:$0x5] =	wrdreg $0x28800  }
0xb3: {  	[dreg:$0x6] =	wrdreg $0x9  }
0xb4: {  	_ =	task.clear_ibuf [dreg:s8], $0x7FFFF;
	_ =	strace $0x90000046  }
0xb5: {  	s29 =	simm.s32 $0x9;
	_ =	strace $0x80000048  }
0xb6: {  	_ =	swait.ge [sflag:s29], $0x1  }
0xb7: {  	[sflag:s29] =	ssyncadd.s32 $0xFFFFFFFF  }
0xb8: {  	_ =	strace $0x90000048  }
0xb9: {  	_ =	sfence  }
0xba: {  	s30 =	sld [smem:$0x0];
	_ =	sdelay $0x2  }
0xbb: {  	s31 =	sshll.u32 s1, $0xD;
	s1 =	sshrl.u32 s1, $0x2  }
0xbc: {  	s3 =	sand.u32 $0x4000, s31;
	s1 =	sadd.s32 s1, s30  }
0xbd: {  	s0 =	sor.u32 s3, s0;
	s1 =	sshll.u32 s1, $0x11  }
0xbe: {  	s0 =	sor.u32 s1, s0  }
0xbf: {  	s0 =	sadd.s32 $0x8F2B, s0  }
0xc0: {  	[sflag:s0] =	ssyncadd.remote.s32 $0x1  }
0xc1: {  	_ =	sfence.sel $0xFFFF  }
0xc2: {  	[dreg:$0x0] =	wrdreg $0xFFFFFFFF;
	(pc) =	sbr.abs _section_cstart, $3  }
0xc3: {  	[dreg:$0x1] =	wrdreg $0xFFFFFFFF  }
0xc4: {  	_ =	task.clear_ibuf [dreg:s8], $0x2FFFF;
	_ =	strace $0x9FFFFFFF  }
0xc5: {  	(tm) =	ssettm $0x7FFFFFFF  }
tec
execute0_lowered:
.L_overlay_start_1:
0x0: {  	(tag) =	ssettag $0x1  }
0x1: {  	s7 =	rddreg [dreg:$0x0]  }
0x2: {  	s9 =	rddreg [dreg:$0x1]  }
0x3: {  	s5 =	rddreg [dreg:$0x2]  }
0x4: {  	s1 =	rddreg [dreg:$0x3]  }
0x5: {  	s0 =	rddreg [dreg:$0x4];
	s2 =	simm.s32 $0x0;
	s3 =	srdreg.scid  }
0x6: {  	[smem:$0x7FF] =	sst s2;
	s6 =	sand.u32 $0x1, s3  }
0x7: {  	s3 =	stileid.u32;
	s4 =	sadd.s32 $0x1000, s5;
	_ =	strace $0x80000047  }
0x8: {  	s8 =	ssub.s32 $0x2, s6;
	s10 =	sshll.u32 s3, $0xA;
	s26 =	smul.u32 $0x4E200, s3  }
0x9: {  	s28 =	sshll.u32 s3, $0xD;
	s12 =	sshll.u32 s6, $0xE;
	s13 =	smul.u32 $0x4E20, s3  }
0xa: {  	s14 =	sshll.u32 s3, $0x6;
	s15 =	smul.u32 $0x2710, s6;
	s11 =	sshrl.u32 s8, $0x1  }
0xb: {  	s29 =	smul.u32 $0x27100, s6;
	s5 =	sadd.s32 s10, s5;
	s8 =	ssub.s32 s8, s11  }
0xc: {  	s12 =	sadd.s32 s12, s5;
	s11 =	sadd.s32 s28, s1;
	s5 =	sor.u32 $0x1C01, s14  }
0xd: {  	s10 =	sadd.s32 s26, s7;
	s30 =	sadd.s32 s15, s13;
	s13 =	simm.s32 $0x50  }
0xe: {  	s14 =	simm.s32 $0x0;
	s6 =	sadd.s32 $0x1400, s12;
	s7 =	smax.u32 s8, $0x1  }
0xf: {  	s8 =	sadd.s32 s29, s10;
	s31 =	sshrl.u32 s30, $0x3;
	s10 =	sshrl.u32 s11, $0x3  }
0x10: {  	s11 =	simm.s32 $0x1;
	s12 =	simm.s32 $0x2800;
	s9 =	sadd.s32 s31, s9  }
.LBB2_1:
0x11: {  	[spmem:s10], [sflag:s5] =	dma.local [hbm:s4], $0x400  }
0x12: {  	_ =	swait.ge [sflag:s11], $0x400  }
0x13: {  	[sflag:s11] =	ssyncset.done $0x0  }
0x14: {  	[sflag:s11] =	ssyncadd.s32 $0xFFFFFC00  }
0x15: {  	[bflag:$0x0] =	sbarrier.arrive $0xFFFF  }
0x16: {  	[tilespmem:s2], [sflag:$0x1] =	stream.linear.gather [hbm4b:s8+s2], $0x2800, $0x38;
	[tilespmem:$0x4880] =	vst v63  }
0x17: {  	_ =	swait.ge [sflag:s11], $0x2800  }
0x18: {  	[sflag:s11] =	ssyncset.done $0x0  }
0x19: {  	s15 =	sadd.s32 $0x0, s9;
	[sflag:s11] =	ssyncadd.s32 $0xFFFFD800  }
0x1a: {  	[tilespmem:s12], [sflag:$0x1] =	stream.linear.gather [hbm4b:s15+s2], $0x50, $0x38;
	[tilespmem:$0x4880] =	vst v63  }
0x1b: {  	_ =	swait.ge [sflag:s11], $0x50  }
0x1c: {  	[sflag:s11] =	ssyncset.done $0x0  }
0x1d: {  	[sflag:s11] =	ssyncadd.s32 $0xFFFFFFB0  }
0x1e: {  	[spmem:s1] =	stream.indirect.scatter.add.f32 [tilespmem:s2], [sflag:$0x1], $0x80, s12, s13, $0xb8;
	[tilespmem:$0x4880] =	vst v63  }
0x1f: {  	_ =	swait.ge [sflag:s11], $0x2800  }
0x20: {  	s16 =	smov.u32 s8;
	s15 =	simm.s32 $0xA;
	[sflag:s11] =	ssyncset.done $0x0  }
.LBB2_2:
0x21: {  	p0 =	sne.s32 s15, $0x4D8;
	[sflag:s11] =	ssyncadd.s32 $0xFFFFD800;
	s16 =	sadd.s32 $0x500, s16  }
0x22: {  	[tilespmem:s2], [sflag:$0x1] =	stream.linear.gather [hbm4b:s16+s2], $0x2800, $0x38;
	[tilespmem:$0x4880] =	vst v63  }
0x23: {  	s17 =	smov.u32 s15;
	s15 =	sadd.s32 $0xA, s15;
	_ =	swait.ge [sflag:s11], $0x2800  }
0x24: {  	[sflag:s11] =	ssyncset.done $0x0  }
0x25: {  	s17 =	sadd.s32 s17, s9;
	[sflag:s11] =	ssyncadd.s32 $0xFFFFD800  }
0x26: {  	[tilespmem:s12], [sflag:$0x1] =	stream.linear.gather [hbm4b:s17+s2], $0x50, $0x38;
	[tilespmem:$0x4880] =	vst v63  }
0x27: {  	_ =	swait.ge [sflag:s11], $0x50  }
.Ltmp0:
0x28: {  	[sflag:s11] =	ssyncset.done $0x0;
	(pc) =	sbr.rel @p0 .LBB2_2-.Ltmp0, $4  }
0x29: {  	[sflag:s11] =	ssyncadd.s32 $0xFFFFFFB0  }
0x2a: {  	[spmem:s1] =	stream.indirect.scatter.add.f32 [tilespmem:s2], [sflag:$0x1], $0x80, s12, s13, $0xb8;
	[tilespmem:$0x4880] =	vst v63  }
0x2b: {  	_ =	swait.ge [sflag:s11], $0x2800  }
0x2c: {  	[sflag:s11] =	ssyncset.done $0x0  }
0x2d: {  	s14 =	sadd.s32 $0x1, s14  }
0x2e: {  	[sflag:s11] =	ssyncadd.s32 $0xFFFFD800;
	p0 =	sne.s32 s14, s7  }
.Ltmp1:
0x2f: {  	[bflag:$0x0] =	sbarrier.arrive $0xFFFF;
	(pc) =	sbr.rel @p0 .LBB2_1-.Ltmp1, $4  }
0x30: {  	[hbm:s6], [sflag:s5] =	dma.local [spmem:s10], $0x400  }
0x31: {  	_ =	swait.ge [sflag:s11], $0x400  }
0x32: {  	[sflag:s11] =	ssyncset.done $0x0  }
0x33: {  	[sflag:s11] =	ssyncadd.s32 $0xFFFFFC00  }
0x34: {  	_ =	sfence.sel $0x180000  }
0x35: {  	[bflag:$0x0] =	sbarrier.arrive $0xFFFF  }
0x36: {  	p0 =	sne.s32 s3, $0x0;
	_ =	strace $0x90000047  }
0x37: {  	s0 =	sadd.s32 @!p0 $0x100000, s0;
	[bflag:$0x2] =	sbarrier.arrive $0xFFFF  }
0x38: {  	[sflag:s0] =	ssyncadd.tile.s32 @!p0 $0x1;
	_ =	shalt  }
.Lfunc_end2:
_tile_overlayer_lowered:
.L_overlay_start_2:
0x39: {  	(tag) =	ssettag $0x2  }
0x3a: {  	s0 =	rddreg [dreg:$0x0];
	s2 =	stileid.u32  }
0x3b: {  	s1 =	rddreg [dreg:$0x1];
	p0 =	sne.s32 s2, $0x0  }
0x3c: {  	s3 =	rddreg [dreg:$0x2];
	[bflag:$0x3] =	sbarrier.arrive $0xFFFF;
	s2 =	simm.s32 @!p0 $0x1C01  }
0x3d: {  	[timem:s3], [sflag:s2] =	dma.local @!p0 [hbm:s0], s1  }
0x3e: {  	s0 =	simm.s32 @!p0 $0x1  }
0x3f: {  	_ =	swait.ge @!p0 [sflag:s0], s1  }
0x40: {  	s1 =	ssub.s32 @!p0 $0x0, s1;
	[sflag:s0] =	ssyncset.done @!p0 $0x0  }
0x41: {  	[sflag:s0] =	ssyncadd.s32 @!p0 s1  }
0x42: {  	[bflag:$0x3] =	sbarrier.arrive $0xFFFF  }
0x43: {  	_ =	shalt  }

</sc_bundles>
